<compile_context>
chip_gen: v7x
topology: tpu7x:2x2x1
jax: 0.10.2.dev20260603
libtpu: 0.0.44.dev20260713+nightly
codegen_flags: <defaults>
</compile_context>

<pallas_src>
import functools
import math

import jax
import jax.numpy as jnp
from jax import lax
from jax.experimental import pallas as pl
from jax.experimental.pallas import tpu as pltpu
from jax.experimental.pallas import tpu_sc as plsc

_B, _L, _V, _D = 1024, 512, 256, 128

_NC, _NS, _LANES = 2, 16, 16
_NW = _NC * _NS
_RPW = _B // _NW
_GROUPS = _RPW // _LANES
_VCHUNKS = _V // _LANES


def _sc_hist_body(ids_hbm, h_hbm, ids_v, hist_v, dma_sem):
    wid = lax.axis_index("s") * _NC + lax.axis_index("c")
    base = wid * _RPW
    ids_cp = pltpu.async_copy(ids_hbm.at[pl.ds(base, _RPW)], ids_v, dma_sem)

    lane = lax.iota(jnp.int32, 16)
    zeros = jnp.zeros((_LANES,), jnp.float32)
    ones = jnp.ones((_LANES,), jnp.float32)

    @plsc.parallel_loop(0, _RPW * _VCHUNKS, unroll=8)
    def _zero(i):
        hist_v[i // _VCHUNKS, pl.ds((i % _VCHUNKS) * _LANES, _LANES)] = zeros

    ids_cp.wait()

    @plsc.parallel_loop(0, _L, unroll=8)
    def _pos(p):
        for g in range(_GROUPS):
            row = g * _LANES + lane
            ids16 = plsc.load_gather(ids_v, [row, (p + lane) & (_L - 1)])
            plsc.addupdate_scatter(hist_v, [row, ids16], ones)

    pltpu.sync_copy(hist_v, h_hbm.at[pl.ds(base, _RPW)])


_sc_hist = functools.partial(
    pl.kernel,
    mesh=plsc.VectorSubcoreMesh(core_axis_name="c", subcore_axis_name="s",
                                num_cores=_NC),
    compiler_params=pltpu.CompilerParams(needs_layout_passes=False),
    out_type=jax.ShapeDtypeStruct((_B, _V), jnp.float32),
    scratch_types=[
        pltpu.VMEM((_RPW, _L), jnp.int32),
        pltpu.VMEM((_RPW, _V), jnp.float32),
        pltpu.SemaphoreType.DMA,
    ],
)(_sc_hist_body)


def _tc_mlp_body(h_ref, tab_ref, w1_ref, b1_ref, w2_ref, b2_ref, o_ref):
    pooled = jnp.dot(h_ref[...], tab_ref[...],
                     preferred_element_type=jnp.float32) * (1.0 / _L)
    x = jnp.dot(pooled, w1_ref[...],
                preferred_element_type=jnp.float32) + b1_ref[...]
    x = 0.5 * x * (1.0 + lax.erf(x * (1.0 / math.sqrt(2.0))))
    o_ref[...] = jnp.dot(x, w2_ref[...],
                         preferred_element_type=jnp.float32) + b2_ref[...]


def kernel(prompt_ids, table, W1, b1, W2, b2):
    h = _sc_hist(prompt_ids.astype(jnp.int32))
    out = pl.pallas_call(
        _tc_mlp_body,
        out_shape=jax.ShapeDtypeStruct((_B, _D), jnp.float32),
    )(h, table, W1, b1.reshape(1, _D), W2, b2.reshape(1, _D))
    return out

# --- scband reference (transcript-rebuilt; emitter-appended) ---
"""Pipeline reference for scband-byte-prompt-encoder-11398843204057 (READ-ONLY COPY).

The authoritative reference and input builder live on the scoring server;
editing this copy changes nothing except your own understanding.
"""

import jax, jax.numpy as jnp
import numpy as np

B = 1024
L = 512
VOCAB = 256
D = 128

def setup_inputs(seed: int = 0) -> dict:
    key = jax.random.key(seed)
    k_ids, k_tab, k_w1, k_b1, k_w2, k_b2 = jax.random.split(key, 6)
    prompt_ids = jax.random.randint(k_ids, (B, L), 0, VOCAB, dtype=jnp.int64 if jax.config.read('jax_enable_x64') else jnp.int32)
    table = jax.random.normal(k_tab, (VOCAB, D), dtype=jnp.float32) * 0.02
    W1 = jax.random.normal(k_w1, (D, D), dtype=jnp.float32) * (1.0 / np.sqrt(D))
    b1 = jnp.zeros((D,), dtype=jnp.float32)
    W2 = jax.random.normal(k_w2, (D, D), dtype=jnp.float32) * (1.0 / np.sqrt(D))
    b2 = jnp.zeros((D,), dtype=jnp.float32)
    return {"prompt_ids": prompt_ids, "table": table, "W1": W1, "b1": b1, "W2": W2, "b2": b2}

def reference(prompt_ids, table, W1, b1, W2, b2):
    # Embedding lookup: gather byte embeddings -> [B, L, D]
    emb = jnp.take(table, prompt_ids, axis=0)
    # Mean-pool over byte dimension -> [B, D]
    pooled = jnp.mean(emb, axis=1)
    # 2-layer MLP with exact GELU (torch nn.GELU default)
    h = jnp.dot(pooled, W1) + b1
    h = jax.nn.gelu(h, approximate=False)
    out = jnp.dot(h, W2) + b2
    return out

if __name__ == "__main__":
    import jax
    _d = setup_inputs()
    print(jax.jit(kernel)(*tuple(_d.values())))

</pallas_src>

<mosaic_0001>
#map = affine_map<(d0, d1) -> (0, 0)>
module attributes {stable_mosaic.version = 14 : i64} {
  func.func @_sc_hist_body(%arg0: i32, %arg1: i32, %arg2: memref<1024x512xi32, #tpu.memory_space<hbm>>, %arg3: memref<1024x256xf32, #tpu.memory_space<hbm>>, %arg4: memref<32x512xi32, #tpu.memory_space<vmem>>, %arg5: memref<32x256xf32, #tpu.memory_space<vmem>>, %arg6: memref<!tpu.dma_semaphore, #tpu.memory_space<semaphore_mem>>) attributes {dimension_semantics = [#tpu.dimension_semantics<core_parallel>, #tpu.dimension_semantics<subcore_parallel>], iteration_bounds = array<i64: 2, 16>, scalar_prefetch = 0 : i64, scratch_operands = 3 : i64, tpu.core_type = #tpu.core_type<sc_vector_subcore>, window_params = [{transform_indices = #map}, {transform_indices = #map}]} {
    %mul3A = arith.constant 2 : i32
    %mul3A_0 = arith.muli %arg1, %mul3A : i32
    %add3A = arith.addi %mul3A_0, %arg0 : i32
    %mul3A_1 = arith.constant 32 : i32
    %mul3A_2 = arith.muli %add3A, %mul3A_1 : i32
    %dma_start3A = arith.constant 0 : i32
    %dma_start3A_3 = tpu.memref_slice %arg2[%mul3A_2, %dma_start3A] : memref<1024x512xi32, #tpu.memory_space<hbm>> -> memref<32x512xi32, #tpu.memory_space<hbm>>
    %dma_start3A_4 = arith.constant 0 : i32
    %dma_start3A_5 = tpu.memref_slice %arg2[%mul3A_2, %dma_start3A_4] : memref<1024x512xi32, #tpu.memory_space<hbm>> -> memref<32x512xi32, #tpu.memory_space<hbm>>
    tpu.enqueue_dma source(%dma_start3A_5 : memref<32x512xi32, #tpu.memory_space<hbm>>) target(%arg4 : memref<32x512xi32, #tpu.memory_space<vmem>>) target_semaphore(%arg6 : memref<!tpu.dma_semaphore, #tpu.memory_space<semaphore_mem>>)
    %iota3A = tpu.iota {dimensions = array<i32: 0>} : vector<16xi32>
    %broadcast_in_dim3A = arith.constant 0.000000e+00 : f32
    %broadcast_in_dim3A_6 = vector.broadcast %broadcast_in_dim3A : f32 to vector<16xf32>
    %broadcast_in_dim3A_7 = arith.constant 1.000000e+00 : f32
    %broadcast_in_dim3A_8 = vector.broadcast %broadcast_in_dim3A_7 : f32 to vector<16xf32>
    %parallel_loop3A = arith.constant 0 : i32
    %parallel_loop3A_9 = arith.constant 512 : i32
    %parallel_loop3A_10 = arith.constant 1 : i32
    scf.for %parallel_loop3A_17 = %parallel_loop3A to %parallel_loop3A_9 step %parallel_loop3A_10  : i32 {
      %parallel_loop3A_18 = arith.constant 16 : i32
      %parallel_loop3A_19 = arith.divsi %parallel_loop3A_17, %parallel_loop3A_18 : i32
      %parallel_loop3A_20 = arith.constant 0 : i32
      %parallel_loop3A_21 = arith.cmpi sgt, %parallel_loop3A_17, %parallel_loop3A_20 : i32
      %parallel_loop3A_22 = arith.extui %parallel_loop3A_21 : i1 to i32
      %parallel_loop3A_23 = arith.constant 0 : i32
      %parallel_loop3A_24 = arith.cmpi slt, %parallel_loop3A_17, %parallel_loop3A_23 : i32
      %parallel_loop3A_25 = arith.extui %parallel_loop3A_24 : i1 to i32
      %parallel_loop3A_26 = arith.subi %parallel_loop3A_22, %parallel_loop3A_25 : i32
      %parallel_loop3A_27 = arith.constant 0 : i32
      %parallel_loop3A_28 = arith.cmpi sgt, %parallel_loop3A_18, %parallel_loop3A_27 : i32
      %parallel_loop3A_29 = arith.extui %parallel_loop3A_28 : i1 to i32
      %parallel_loop3A_30 = arith.constant 0 : i32
      %parallel_loop3A_31 = arith.cmpi slt, %parallel_loop3A_18, %parallel_loop3A_30 : i32
      %parallel_loop3A_32 = arith.extui %parallel_loop3A_31 : i1 to i32
      %parallel_loop3A_33 = arith.subi %parallel_loop3A_29, %parallel_loop3A_32 : i32
      %parallel_loop3A_34 = arith.cmpi ne, %parallel_loop3A_26, %parallel_loop3A_33 : i32
      %parallel_loop3A_35 = arith.remsi %parallel_loop3A_17, %parallel_loop3A_18 : i32
      %parallel_loop3A_36 = arith.constant 0 : i32
      %parallel_loop3A_37 = arith.cmpi ne, %parallel_loop3A_35, %parallel_loop3A_36 : i32
      %parallel_loop3A_38 = arith.andi %parallel_loop3A_34, %parallel_loop3A_37 : i1
      %parallel_loop3A_39 = arith.constant 1 : i32
      %parallel_loop3A_40 = arith.subi %parallel_loop3A_19, %parallel_loop3A_39 : i32
      %parallel_loop3A_41 = arith.select %parallel_loop3A_38, %parallel_loop3A_40, %parallel_loop3A_19 : i32
      %parallel_loop3A_42 = arith.constant 16 : i32
      %parallel_loop3A_43 = arith.constant 0 : i32
      %parallel_loop3A_44 = arith.cmpi eq, %parallel_loop3A_42, %parallel_loop3A_43 : i32
      %parallel_loop3A_45 = arith.constant 1 : i32
      %parallel_loop3A_46 = arith.select %parallel_loop3A_44, %parallel_loop3A_45, %parallel_loop3A_42 : i32
      %parallel_loop3A_47 = arith.remsi %parallel_loop3A_17, %parallel_loop3A_46 : i32
      %parallel_loop3A_48 = arith.constant 0 : i32
      %parallel_loop3A_49 = arith.cmpi ne, %parallel_loop3A_47, %parallel_loop3A_48 : i32
      %parallel_loop3A_50 = arith.constant 0 : i32
      %parallel_loop3A_51 = arith.cmpi slt, %parallel_loop3A_47, %parallel_loop3A_50 : i32
      %parallel_loop3A_52 = arith.constant 0 : i32
      %parallel_loop3A_53 = arith.cmpi slt, %parallel_loop3A_46, %parallel_loop3A_52 : i32
      %parallel_loop3A_54 = arith.xori %parallel_loop3A_51, %parallel_loop3A_53 : i1
      %parallel_loop3A_55 = arith.andi %parallel_loop3A_54, %parallel_loop3A_49 : i1
      %parallel_loop3A_56 = arith.addi %parallel_loop3A_47, %parallel_loop3A_46 : i32
      %parallel_loop3A_57 = arith.select %parallel_loop3A_55, %parallel_loop3A_56, %parallel_loop3A_47 : i32
      %parallel_loop3A_58 = arith.constant 16 : i32
      %parallel_loop3A_59 = arith.muli %parallel_loop3A_57, %parallel_loop3A_58 : i32
      %parallel_loop3A_60 = arith.index_cast %parallel_loop3A_41 : i32 to index
      %parallel_loop3A_61 = arith.index_cast %parallel_loop3A_59 : i32 to index
      %parallel_loop3A_62 = tpu.vector_load %arg5[%parallel_loop3A_60, %parallel_loop3A_61] {strides = array<i32>} : memref<32x256xf32, #tpu.memory_space<vmem>>, vector<16xf32>,
      tpu.vector_store %arg5[%parallel_loop3A_60, %parallel_loop3A_61], %broadcast_in_dim3A_6 {strides = array<i32>} : memref<32x256xf32, #tpu.memory_space<vmem>>, vector<16xf32>,
    } {sc.loop_unroll_factor = 8 : i64, sc.parallel_access}
    %dma_wait3A = arith.constant 0 : i32
    %dma_wait3A_11 = tpu.memref_slice %arg2[%mul3A_2, %dma_wait3A] : memref<1024x512xi32, #tpu.memory_space<hbm>> -> memref<32x512xi32, #tpu.memory_space<hbm>>
    %dma_wait3A_12 = arith.constant 0 : i32
    %dma_wait3A_13 = tpu.memref_slice %arg2[%mul3A_2, %dma_wait3A_12] : memref<1024x512xi32, #tpu.memory_space<hbm>> -> memref<32x512xi32, #tpu.memory_space<hbm>>
    tpu.wait_dma2 semaphore(%arg6 : memref<!tpu.dma_semaphore, #tpu.memory_space<semaphore_mem>>) src(%dma_wait3A_13 : memref<32x512xi32, #tpu.memory_space<hbm>>) dst(%arg4 : memref<32x512xi32, #tpu.memory_space<vmem>>)
    %parallel_loop3A_14 = arith.constant 0 : i32
    %parallel_loop3A_15 = arith.constant 512 : i32
    %parallel_loop3A_16 = arith.constant 1 : i32
    scf.for %parallel_loop3A_17 = %parallel_loop3A_14 to %parallel_loop3A_15 step %parallel_loop3A_16  : i32 {
      %parallel_loop3A_18 = arith.constant 0 : i32
      %parallel_loop3A_19 = vector.broadcast %parallel_loop3A_18 : i32 to vector<16xi32>
      %parallel_loop3A_20 = arith.addi %parallel_loop3A_19, %iota3A : vector<16xi32>
      %parallel_loop3A_21 = vector.broadcast %parallel_loop3A_17 : i32 to vector<16xi32>
      %parallel_loop3A_22 = arith.addi %parallel_loop3A_21, %iota3A : vector<16xi32>
      %parallel_loop3A_23 = arith.constant 511 : i32
      %parallel_loop3A_24 = vector.broadcast %parallel_loop3A_23 : i32 to vector<16xi32>
      %parallel_loop3A_25 = arith.andi %parallel_loop3A_22, %parallel_loop3A_24 : vector<16xi32>
      %parallel_loop3A_26 = tpu.vector_load_idx %arg4[%parallel_loop3A_20, %parallel_loop3A_25] : memref<32x512xi32, #tpu.memory_space<vmem>>[vector<16xi32>, vector<16xi32>], vector<16xi32>,
      tpu.vector_store_idx %arg5[%parallel_loop3A_20, %parallel_loop3A_26], %broadcast_in_dim3A_8 {add = true} : memref<32x256xf32, #tpu.memory_space<vmem>>[vector<16xi32>, vector<16xi32>], vector<16xf32>,
      %parallel_loop3A_27 = arith.constant 16 : i32
      %parallel_loop3A_28 = vector.broadcast %parallel_loop3A_27 : i32 to vector<16xi32>
      %parallel_loop3A_29 = arith.addi %parallel_loop3A_28, %iota3A : vector<16xi32>
      %parallel_loop3A_30 = vector.broadcast %parallel_loop3A_17 : i32 to vector<16xi32>
      %parallel_loop3A_31 = arith.addi %parallel_loop3A_30, %iota3A : vector<16xi32>
      %parallel_loop3A_32 = arith.constant 511 : i32
      %parallel_loop3A_33 = vector.broadcast %parallel_loop3A_32 : i32 to vector<16xi32>
      %parallel_loop3A_34 = arith.andi %parallel_loop3A_31, %parallel_loop3A_33 : vector<16xi32>
      %parallel_loop3A_35 = tpu.vector_load_idx %arg4[%parallel_loop3A_29, %parallel_loop3A_34] : memref<32x512xi32, #tpu.memory_space<vmem>>[vector<16xi32>, vector<16xi32>], vector<16xi32>,
      tpu.vector_store_idx %arg5[%parallel_loop3A_29, %parallel_loop3A_35], %broadcast_in_dim3A_8 {add = true} : memref<32x256xf32, #tpu.memory_space<vmem>>[vector<16xi32>, vector<16xi32>], vector<16xf32>,
    } {sc.loop_unroll_factor = 8 : i64, sc.parallel_access}
    "tpu.region"() ({
      %run_scoped3A = tpu.sem_alloc : memref<!tpu.dma_semaphore, #tpu.memory_space<semaphore_mem>>
      %dma_start3A_17 = arith.constant 0 : i32
      %dma_start3A_18 = tpu.memref_slice %arg3[%mul3A_2, %dma_start3A_17] : memref<1024x256xf32, #tpu.memory_space<hbm>> -> memref<32x256xf32, #tpu.memory_space<hbm>>
      %dma_start3A_19 = arith.constant 0 : i32
      %dma_start3A_20 = tpu.memref_slice %arg3[%mul3A_2, %dma_start3A_19] : memref<1024x256xf32, #tpu.memory_space<hbm>> -> memref<32x256xf32, #tpu.memory_space<hbm>>
      tpu.enqueue_dma source(%arg5 : memref<32x256xf32, #tpu.memory_space<vmem>>) target(%dma_start3A_20 : memref<32x256xf32, #tpu.memory_space<hbm>>) target_semaphore(%run_scoped3A : memref<!tpu.dma_semaphore, #tpu.memory_space<semaphore_mem>>)
      %dma_wait3A_21 = arith.constant 0 : i32
      %dma_wait3A_22 = tpu.memref_slice %arg3[%mul3A_2, %dma_wait3A_21] : memref<1024x256xf32, #tpu.memory_space<hbm>> -> memref<32x256xf32, #tpu.memory_space<hbm>>
      %dma_wait3A_23 = arith.constant 0 : i32
      %dma_wait3A_24 = tpu.memref_slice %arg3[%mul3A_2, %dma_wait3A_23] : memref<1024x256xf32, #tpu.memory_space<hbm>> -> memref<32x256xf32, #tpu.memory_space<hbm>>
      tpu.wait_dma2 semaphore(%run_scoped3A : memref<!tpu.dma_semaphore, #tpu.memory_space<semaphore_mem>>) src(%arg5 : memref<32x256xf32, #tpu.memory_space<vmem>>) dst(%dma_wait3A_24 : memref<32x256xf32, #tpu.memory_space<hbm>>)
      tpu.yield
    }) : () -> ()
    return
  }
}

module attributes {stable_mosaic.version = 14 : i64} {
  func.func @_tc_mlp_body(%arg0: memref<1024x256xf32, #tpu.memory_space<vmem>>, %arg1: memref<256x128xf32, #tpu.memory_space<vmem>>, %arg2: memref<128x128xf32, #tpu.memory_space<vmem>>, %arg3: memref<1x128xf32, #tpu.memory_space<vmem>>, %arg4: memref<128x128xf32, #tpu.memory_space<vmem>>, %arg5: memref<1x128xf32, #tpu.memory_space<vmem>>, %arg6: memref<1024x128xf32, #tpu.memory_space<vmem>>) attributes {dimension_semantics = [], scalar_prefetch = 0 : i64, scratch_operands = 0 : i64, tpu.core_type = #tpu.core_type<tc>} {
    %get3A = arith.constant 0 : index
    %get3A_0 = arith.constant 0 : index
    %get3A_1 = vector.load %arg0[%get3A, %get3A_0] : memref<1024x256xf32, #tpu.memory_space<vmem>>, vector<1024x256xf32>
    %get3A_2 = arith.constant 0 : index
    %get3A_3 = arith.constant 0 : index
    %get3A_4 = vector.load %arg1[%get3A_2, %get3A_3] : memref<256x128xf32, #tpu.memory_space<vmem>>, vector<256x128xf32>
    %dot_general3A = arith.constant dense<0.000000e+00> : vector<1024x128xf32>
    %dot_general3A_5 = tpu.matmul %get3A_1, %get3A_4, %dot_general3A {dimension_numbers = #tpu.dot_dimension_numbers<[1], [0], [0], [1], [0, 0, 1, 1], [], []>, transpose_lhs_hint = false} : vector<1024x256xf32>, vector<256x128xf32>, vector<1024x128xf32> -> vector<1024x128xf32>
    %mul3A = arith.constant 0.001953125 : f32
    %mul3A_6 = vector.broadcast %mul3A : f32 to vector<1024x128xf32>
    %mul3A_7 = arith.mulf %dot_general3A_5, %mul3A_6 : vector<1024x128xf32>
    %get3A_8 = arith.constant 0 : index
    %get3A_9 = arith.constant 0 : index
    %get3A_10 = vector.load %arg2[%get3A_8, %get3A_9] : memref<128x128xf32, #tpu.memory_space<vmem>>, vector<128x128xf32>
    %dot_general3A_11 = arith.constant dense<0.000000e+00> : vector<1024x128xf32>
    %dot_general3A_12 = tpu.matmul %mul3A_7, %get3A_10, %dot_general3A_11 {dimension_numbers = #tpu.dot_dimension_numbers<[1], [0], [0], [1], [0, 0, 1, 1], [], []>, transpose_lhs_hint = false} : vector<1024x128xf32>, vector<128x128xf32>, vector<1024x128xf32> -> vector<1024x128xf32>
    %get3A_13 = arith.constant 0 : index
    %get3A_14 = arith.constant 0 : index
    %get3A_15 = vector.load %arg3[%get3A_13, %get3A_14] : memref<1x128xf32, #tpu.memory_space<vmem>>, vector<1x128xf32>
    %add3A = vector.broadcast %get3A_15 : vector<1x128xf32> to vector<1024x128xf32>
    %add3A_16 = arith.addf %dot_general3A_12, %add3A : vector<1024x128xf32>
    %mul3A_17 = arith.constant 5.000000e-01 : f32
    %mul3A_18 = vector.broadcast %mul3A_17 : f32 to vector<1024x128xf32>
    %mul3A_19 = arith.mulf %mul3A_18, %add3A_16 : vector<1024x128xf32>
    %mul3A_20 = arith.constant 0.707106769 : f32
    %mul3A_21 = vector.broadcast %mul3A_20 : f32 to vector<1024x128xf32>
    %mul3A_22 = arith.mulf %add3A_16, %mul3A_21 : vector<1024x128xf32>
    %erf3A = math.erf %mul3A_22 : vector<1024x128xf32>
    %add3A_23 = arith.constant 1.000000e+00 : f32
    %add3A_24 = vector.broadcast %add3A_23 : f32 to vector<1024x128xf32>
    %add3A_25 = arith.addf %add3A_24, %erf3A : vector<1024x128xf32>
    %mul3A_26 = arith.mulf %mul3A_19, %add3A_25 : vector<1024x128xf32>
    %get3A_27 = arith.constant 0 : index
    %get3A_28 = arith.constant 0 : index
    %get3A_29 = vector.load %arg4[%get3A_27, %get3A_28] : memref<128x128xf32, #tpu.memory_space<vmem>>, vector<128x128xf32>
    %dot_general3A_30 = arith.constant dense<0.000000e+00> : vector<1024x128xf32>
    %dot_general3A_31 = tpu.matmul %mul3A_26, %get3A_29, %dot_general3A_30 {dimension_numbers = #tpu.dot_dimension_numbers<[1], [0], [0], [1], [0, 0, 1, 1], [], []>, transpose_lhs_hint = false} : vector<1024x128xf32>, vector<128x128xf32>, vector<1024x128xf32> -> vector<1024x128xf32>
    %get3A_32 = arith.constant 0 : index
    %get3A_33 = arith.constant 0 : index
    %get3A_34 = vector.load %arg5[%get3A_32, %get3A_33] : memref<1x128xf32, #tpu.memory_space<vmem>>, vector<1x128xf32>
    %add3A_35 = vector.broadcast %get3A_34 : vector<1x128xf32> to vector<1024x128xf32>
    %add3A_36 = arith.addf %dot_general3A_31, %add3A_35 : vector<1024x128xf32>
    %swap3A = arith.constant 0 : index
    %swap3A_37 = arith.constant 0 : index
    %swap3A_38 = vector.load %arg6[%swap3A, %swap3A_37] : memref<1024x128xf32, #tpu.memory_space<vmem>>, vector<1024x128xf32>
    tpu.vector_store %arg6[%swap3A, %swap3A_37], %add3A_36 {strides = array<i32>} : memref<1024x128xf32, #tpu.memory_space<vmem>>, vector<1024x128xf32>,
    return
  }
}

</mosaic_0001>

<sc_bundles>
// kernel: kernel.4.cloned.1.call-start
scs
__scs_entry_jumppad:
0x0: {  	(pc) =	sbr.rel $0x88, $3  }
0x1: {  	(tag) =	ssettag $0x0;
	lr =	simm.s32 $0x1  }
0x2: {  	[smem:$0x3F9B] =	sst lr;
	_ =	strace $0xD0000000  }
0x3: {  	_ = 	snop  }
0x4: {  	_ = 	snop  }
0x5: {  	_ = 	snop  }
0x6: {  	_ = 	snop  }
0x7: {  	_ = 	snop  }
__scs_overlays_trampoline_lowered:
0x8: {  	[smem:$0x3FAA] =	sst s0  }
0x9: {  	[smem:$0x3FAB] =	sst s1  }
0xa: {  	[smem:$0x3FAC] =	sst s2  }
0xb: {  	[smem:$0x3FAD] =	sst s3  }
0xc: {  	[smem:$0x3FAE] =	sst s4  }
0xd: {  	[smem:$0x3FAF] =	sst s5  }
0xe: {  	[smem:$0x3FB0] =	sst s6  }
0xf: {  	[smem:$0x3FB1] =	sst s7  }
0x10: {  	[smem:$0x3FB2] =	sst s8  }
0x11: {  	[smem:$0x3FB3] =	sst s9;
	s0 =	simm.s32 @!p0 $0x0  }
0x12: {  	s1 =	sld [smem:$0x3F99];
	s0 =	simm.s32 @p0 $0x1  }
0x13: {  	[smem:$0x3FB4] =	sst s0;
	s0 =	simm.s32 @!p1 $0x0  }
0x14: {  	s2 =	sld [smem:$0x3F98];
	s0 =	simm.s32 @p1 $0x1  }
0x15: {  	[smem:$0x3FB5] =	sst s0;
	s0 =	simm.s32 @!p2 $0x0  }
0x16: {  	s3 =	sld [smem:$0x3FDB];
	s0 =	simm.s32 @p2 $0x1  }
0x17: {  	s4 =	simm.s32 $0x1BF5;
	[smem:$0x3FB7] =	sst s0  }
0x18: {  	s0 =	sld [smem:$0x3F9A];
	_ =	swait.ge [sflag:s4], $0x0  }
0x19: {  	s7 =	sld [smem:$0x3F9B]  }
0x1a: {  	s8 =	sadd.s32 $0xFFFFE003, lr  }
0x1b: {  	s9 =	sadd.s32 $0xFFFFFEF7, lr;
	s5 =	simm.s32 $0xFFFFFFFF;
	p2 =	slt.u32 s8, $0xFFFFF086  }
0x1c: {  	p1 =	slt.u32 s9, $0xF7A;
	s5 =	simm.s32 @!p2 $0x0  }
0x1d: {  	s5 =	simm.s32 @p1 $0x1;
	p0 =	seq.s32 s7, s2  }
0x1e: {  	s7 =	smul.u32 @!p0 $0xF7A, s2;
	p2 =	seq.s32 @!p0 s5, $0x0  }
0x1f: {  	s9 =	smul.u32 $0xF7A, s1;
	s8 =	simm.s32 @!p0 $0x1BF5;
	p2 =	por !p2, p0  }
0x20: {  	[sflag:s8] =	ssyncset.s32 @!p0 $0xFFFFF086;
	s6 =	sadd.s32 @!p0 s3, s7;
	s7 =	simm.s32 @!p0 $0x108  }
0x21: {  	s3 =	sadd.s32 s3, s9;
	s6 =	sadd.s32 @!p0 $0x88, s6;
	s7 =	simm.s32 @p2 $0x1082  }
0x22: {  	[simem:s7], [sflag:s8] =	dma.local @!p0 [hbm:s6], $0xF7A  }
0x23: {  	s9 =	sor.u32 $0xD0000000, s2;
	s6 =	simm.s32 $0x108;
	_ =	swait.ge @!p0 [sflag:s8], $0x0  }
0x24: {  	s3 =	sadd.s32 $0x88, s3;
	s6 =	simm.s32 @!p1 $0x1082;
	[sflag:s4] =	ssyncset.s32 $0xFFFFF086  }
0x25: {  	[simem:s6], [sflag:s4] =	dma.local [hbm:s3], $0xF7A  }
0x26: {  	[smem:$0x3F9B] =	sst s1;
	(tag) =	ssettag s2;
	_ =	strace s9  }
0x27: {  	s1 =	sld [smem:$0x3FAB]  }
0x28: {  	s2 =	sld [smem:$0x3FAC]  }
0x29: {  	s4 =	sld [smem:$0x3FAE]  }
0x2a: {  	p0 =	seq.s32 s5, $0x0;
	s5 =	sld [smem:$0x3FAF]  }
0x2b: {  	s6 =	sld [smem:$0x3FB0]  }
0x2c: {  	s7 =	sld [smem:$0x3FB1]  }
0x2d: {  	s3 =	simm.s32 $0x108;
	s8 =	sld [smem:$0x3FB2]  }
0x2e: {  	s3 =	simm.s32 @!p0 $0x1082;
	s9 =	sld [smem:$0x3FB3]  }
0x2f: {  	lr =	sadd.s32 s0, s3;
	s0 =	sld [smem:$0x3FAA]  }
0x30: {  	s3 =	sld [smem:$0x3FAD]  }
0x31: {  	[smem:$0x3FB6] =	sst s10  }
0x32: {  	s10 =	sld [smem:$0x3FB4];
	_ =	sdelay $0x3  }
0x33: {  	p0 =	seq.s32 s10, $0x1;
	s10 =	sld [smem:$0x3FB6];
	_ =	sdelay $0x3  }
0x34: {  	[smem:$0x3FB6] =	sst s10  }
0x35: {  	s10 =	sld [smem:$0x3FB5];
	_ =	sdelay $0x3  }
0x36: {  	p1 =	seq.s32 s10, $0x1;
	s10 =	sld [smem:$0x3FB6];
	_ =	sdelay $0x3  }
0x37: {  	[smem:$0x3FB6] =	sst s10  }
0x38: {  	s10 =	sld [smem:$0x3FB7]  }
0x39: {  	_ = 	snop;
	(pc) =	sbr.ind lr, $3  }
0x3a: {  	_ = 	snop  }
0x3b: {  	_ = 	snop  }
0x3c: {  	p2 =	seq.s32 s10, $0x1;
	s10 =	sld [smem:$0x3FB6]  }
0x3d: {  	_ =	shalt  }
0x3e: {  	_ =	shalt  }
0x3f: {  	_ =	shalt  }
0x40: {  	_ =	shalt  }
0x41: {  	_ =	shalt  }
0x42: {  	_ =	shalt  }
0x43: {  	_ =	shalt  }
0x44: {  	_ =	shalt  }
0x45: {  	_ =	shalt  }
0x46: {  	_ =	shalt  }
0x47: {  	_ =	shalt  }
0x48: {  	_ =	shalt  }
0x49: {  	_ =	shalt  }
0x4a: {  	_ =	shalt  }
0x4b: {  	_ =	shalt  }
0x4c: {  	_ =	shalt  }
0x4d: {  	_ =	shalt  }
0x4e: {  	_ =	shalt  }
0x4f: {  	_ =	shalt  }
0x50: {  	_ =	shalt  }
0x51: {  	_ =	shalt  }
0x52: {  	_ =	shalt  }
0x53: {  	_ =	shalt  }
0x54: {  	_ =	shalt  }
0x55: {  	_ =	shalt  }
0x56: {  	_ =	shalt  }
0x57: {  	_ =	shalt  }
0x58: {  	_ =	shalt  }
0x59: {  	_ =	shalt  }
0x5a: {  	_ =	shalt  }
0x5b: {  	_ =	shalt  }
0x5c: {  	_ =	shalt  }
0x5d: {  	_ =	shalt  }
0x5e: {  	_ =	shalt  }
0x5f: {  	_ =	shalt  }
0x60: {  	_ =	shalt  }
0x61: {  	_ =	shalt  }
0x62: {  	_ =	shalt  }
0x63: {  	_ =	shalt  }
0x64: {  	_ =	shalt  }
0x65: {  	_ =	shalt  }
0x66: {  	_ =	shalt  }
0x67: {  	_ =	shalt  }
0x68: {  	_ =	shalt  }
0x69: {  	_ =	shalt  }
0x6a: {  	_ =	shalt  }
0x6b: {  	_ =	shalt  }
0x6c: {  	_ =	shalt  }
0x6d: {  	_ =	shalt  }
0x6e: {  	_ =	shalt  }
0x6f: {  	_ =	shalt  }
0x70: {  	_ =	shalt  }
0x71: {  	_ =	shalt  }
0x72: {  	_ =	shalt  }
0x73: {  	_ =	shalt  }
0x74: {  	_ =	shalt  }
0x75: {  	_ =	shalt  }
0x76: {  	_ =	shalt  }
0x77: {  	_ =	shalt  }
0x78: {  	_ =	shalt  }
0x79: {  	_ =	shalt  }
0x7a: {  	_ =	shalt  }
0x7b: {  	_ =	shalt  }
0x7c: {  	_ =	shalt  }
0x7d: {  	_ =	shalt  }
0x7e: {  	_ =	shalt  }
0x7f: {  	_ =	shalt  }
0x80: {  	_ =	shalt  }
0x81: {  	_ =	shalt  }
0x82: {  	_ =	shalt  }
0x83: {  	_ =	shalt  }
0x84: {  	_ =	shalt  }
0x85: {  	_ =	shalt  }
0x86: {  	_ =	shalt  }
0x87: {  	_ =	shalt  }
.Lfunc_end0:
.L_simem_size_0:
called_computation_lowered:
.L_overlay_start_0:
0x88: {  	s2 =	sld [smem:$0x3FD9]  }
0x89: {  	s3 =	sld [smem:$0x3FFE];
	_ =	sdelay $0x1  }
0x8a: {  	s1 =	srdreg.scid  }
0x8b: {  	s0 =	sand.u32 $0x1, s1  }
0x8c: {  	s17 =	sshll.u32 s0, $0xA;
	s2 =	sadd.s32 s3, s2  }
0x8d: {  	s2 =	sadd.s32 s2, s17  }
0x8e: {  	[smem:$0x3FC2] =	sst s2  }
0x8f: {  	_ = 	snop  }
0x90: {  	s2 =	sld [smem:$0x3FC9];
	(tm) =	ssettm $0x1  }
0x91: {  	s18 =	sld [smem:$0x3FFB];
	_ =	sdelay $0x3  }
0x92: {  	_ =	strace s18  }
0x93: {  	s3 =	sld [smem:$0x3FFC];
	_ =	sdelay $0x3  }
0x94: {  	_ =	strace s3  }
0x95: {  	s3 =	sld [smem:$0x3FFD];
	_ =	sdelay $0x3  }
0x96: {  	_ =	strace s3  }
0x97: {  	_ =	strace $0x8FFFFFFF  }
0x98: {  	s19 =	sld [smem:$0x3FDB];
	_ =	sdelay $0x1  }
0x99: {  	s4 =	simm.s32 $_scs_section_size  }
0x9a: {  	s5 =	simm.s32 $_size__tile_overlayer_lowered;
	s6 =	simm.s32 $_tile_overlayer_lowered  }
0x9b: {  	s22 =	simm.s32 $0x1BFF;
	s21 =	sshll.u32 s6, $0x1;
	s3 =	sadd.s32 s4, s19  }
0x9c: {  	s7 =	simm.s32 $0x0;
	s20 =	sshll.u32 s5, $0x1;
	s5 =	sadd.s32 s21, s3  }
0x9d: {  	[timem:s7], [sflag:s22] =	dma.local [hbm:s5], s20  }
0x9e: {  	_ =	swait.ge [sflag:s22], s20  }
0x9f: {  	s4 =	ssub.s32 $0x0, s20;
	[sflag:s22] =	ssyncset.done $0x0  }
0xa0: {  	[sflag:s22] =	ssyncadd.s32 s4;
	_ =	sdelay $0x1  }
0xa1: {  	s23 =	simm.s32 $0x1B8B  }
0xa2: {  	_ =	swait.ge [sflag:s23], $0x1  }
0xa3: {  	[sflag:s23] =	ssyncset.done $0x0  }
0xa4: {  	s25 =	simm.s32 $0x1B8E;
	s24 =	sld [smem:$0x3FFE];
	[sflag:s23] =	ssyncadd.s32 $0xFFFFFFFF  }
0xa5: {  	s26 =	simm.s32 $execute0_lowered;
	[smem:$0x3FD2] =	sst s25  }
0xa6: {  	s5 =	sshll.u32 s26, $0x1;
	_ =	strace $0x80000046;
	[dreg:$0x1] =	wrdreg $0xFFFFFFFF  }
0xa7: {  	s28 =	simm.s32 $_size_execute0_lowered;
	s3 =	sadd.s32 s3, s5;
	[dreg:$0x0] =	wrdreg $0x0  }
0xa8: {  	s5 =	sshll.u32 s28, $0x1;
	[dreg:$0x2] =	wrdreg s3  }
0xa9: {  	[dreg:$0x3] =	wrdreg s5  }
0xaa: {  	[dreg:$0x4] =	wrdreg $0xC0  }
0xab: {  	_ =	task [dreg:s7], $0x5FFFF  }
0xac: {  	[dreg:$0x1] =	wrdreg $0xFFFFFFFF  }
0xad: {  	[dreg:$0x0] =	wrdreg $0x60  }
0xae: {  	[dreg:$0x2] =	wrdreg s2  }
0xaf: {  	[dreg:$0x3] =	wrdreg s24  }
0xb0: {  	[dreg:$0x4] =	wrdreg $0x9  }
0xb1: {  	_ =	task.clear_ibuf [dreg:s7], $0x5FFFF;
	_ =	strace $0x90000046  }
0xb2: {  	s29 =	simm.s32 $0x9;
	_ =	strace $0x80000048  }
0xb3: {  	_ =	swait.ge [sflag:s29], $0x1  }
0xb4: {  	[sflag:s29] =	ssyncadd.s32 $0xFFFFFFFF  }
0xb5: {  	_ =	strace $0x90000048  }
0xb6: {  	_ =	sfence  }
0xb7: {  	s30 =	sld [smem:$0x0];
	_ =	sdelay $0x2  }
0xb8: {  	s31 =	sshll.u32 s1, $0xD;
	s1 =	sshrl.u32 s1, $0x2  }
0xb9: {  	s3 =	sand.u32 $0x4000, s31;
	s1 =	sadd.s32 s1, s30  }
0xba: {  	s0 =	sor.u32 s3, s0;
	s1 =	sshll.u32 s1, $0x11  }
0xbb: {  	s0 =	sor.u32 s1, s0  }
0xbc: {  	s0 =	sadd.s32 $0x8F2B, s0  }
0xbd: {  	[sflag:s0] =	ssyncadd.remote.s32 $0x1  }
0xbe: {  	_ =	sfence.sel $0xFFFF  }
0xbf: {  	[dreg:$0x0] =	wrdreg $0xFFFFFFFF;
	(pc) =	sbr.abs _section_cstart, $3  }
0xc0: {  	[dreg:$0x1] =	wrdreg $0xFFFFFFFF  }
0xc1: {  	_ =	task.clear_ibuf [dreg:s7], $0x2FFFF;
	_ =	strace $0x9FFFFFFF  }
0xc2: {  	(tm) =	ssettm $0x7FFFFFFF  }
0xc3: {  	_ =	shalt  }
tec
execute0_lowered:
.L_overlay_start_1:
0x0: {  	(tag) =	ssettag $0x1  }
0x1: {  	vm13 =	vcmask $0x300  }
0x2: {  	v0 =	vimm.s32 $0x1380;
	vm14 =	vcmask $0x704;
	vm12 =	vcmask $0xB08  }
0x3: {  	vm11 =	vcmask $0xF0C;
	vm10 =	vcmask $0x1310;
	vm9 =	vcmask $0x1714  }
0x4: {  	vm8 =	vcmask $0x1B18;
	vm7 =	vcmask $0x1F1C;
	vm6 =	vcmask $0x2320  }
0x5: {  	vm5 =	vcmask $0x2724;
	vm4 =	vcmask $0x2B28;
	vm3 =	vcmask $0x2F2C  }
0x6: {  	vm2 =	vcmask $0x3330;
	vm1 =	vcmask $0x3734;
	vm0 =	vcmask $0x3B38  }
0x7: {  	v3 =	vimm.s32 $0xB80;
	v4 =	vimm.s32 $0x3380;
	v5 =	vimm.s32 $0x1B80  }
0x8: {  	v0 =	vsel vm13, $0x0, v0;
	v3 =	vsel vm13, $0x0, v3;
	v4 =	vsel vm13, $0x2000, v4  }
0x9: {  	v5 =	vsel vm13, $0x1000, v5;
	v0 =	vsel vm14, $0x80, v0;
	v3 =	vsel vm14, $0x80, v3  }
0xa: {  	v4 =	vsel vm14, $0x2080, v4;
	v5 =	vsel vm14, $0x1080, v5;
	v0 =	vsel vm12, $0x100, v0  }
0xb: {  	v3 =	vsel vm12, $0x100, v3;
	v4 =	vsel vm12, $0x2100, v4;
	v5 =	vsel vm12, $0x1100, v5  }
0xc: {  	v0 =	vsel vm11, $0x180, v0;
	v3 =	vsel vm11, $0x180, v3;
	v4 =	vsel vm11, $0x2180, v4  }
0xd: {  	v5 =	vsel vm11, $0x1180, v5;
	v0 =	vsel vm10, $0x200, v0;
	v3 =	vsel vm10, $0x200, v3  }
0xe: {  	v4 =	vsel vm10, $0x2200, v4;
	v5 =	vsel vm10, $0x1200, v5;
	v0 =	vsel vm9, $0x280, v0  }
0xf: {  	v3 =	vsel vm9, $0x280, v3;
	v4 =	vsel vm9, $0x2280, v4;
	v5 =	vsel vm9, $0x1280, v5  }
0x10: {  	v0 =	vsel vm8, $0x300, v0;
	v3 =	vsel vm8, $0x300, v3;
	v4 =	vsel vm8, $0x2300, v4  }
0x11: {  	v5 =	vsel vm8, $0x1300, v5;
	v0 =	vsel vm7, $0x380, v0;
	v3 =	vsel vm7, $0x380, v3  }
0x12: {  	v4 =	vsel vm7, $0x2380, v4;
	v5 =	vsel vm7, $0x1380, v5;
	v0 =	vsel vm6, $0x1000, v0  }
0x13: {  	s3 =	rddreg [dreg:$0x0];
	v3 =	vsel vm6, $0x800, v3;
	v4 =	vsel vm6, $0x3000, v4;
	v5 =	vsel vm6, $0x1800, v5  }
0x14: {  	s4 =	rddreg [dreg:$0x1];
	v0 =	vsel vm5, $0x1080, v0;
	v3 =	vsel vm5, $0x880, v3;
	v4 =	vsel vm5, $0x3080, v4  }
0x15: {  	s0 =	rddreg [dreg:$0x2];
	s5 =	srdreg.scid;
	v5 =	vsel vm5, $0x1880, v5;
	v0 =	vsel vm4, $0x1100, v0;
	v3 =	vsel vm4, $0x900, v3  }
0x16: {  	s2 =	simm.s32 $0x0;
	s1 =	stileid.u32;
	s5 =	sand.u32 $0x1, s5;
	v4 =	vsel vm4, $0x3100, v4;
	v5 =	vsel vm4, $0x1900, v5;
	v0 =	vsel vm3, $0x1180, v0  }
0x17: {  	s9 =	simm.s32 $0x0;
	s6 =	sshll.u32 s1, $0x6;
	s7 =	sshll.u32 s5, $0x5;
	v3 =	vsel vm3, $0x980, v3;
	v4 =	vsel vm3, $0x3180, v4;
	v5 =	vsel vm3, $0x1980, v5  }
0x18: {  	[smem:$0x7FF] =	sst s2;
	s5 =	ssub.s32 $0x2, s5;
	s6 =	sor.u32 s7, s6;
	v1 =	vsel vm2, $0x1200, v0;
	v0 =	vimm.f32 $0.0e+00;
	v3 =	vsel vm2, $0xA00, v3  }
0x19: {  	_ =	strace $0x80000047;
	s8 =	sshrl.u32 s5, $0x1;
	s7 =	sshll.u32 s6, $0x5;
	v4 =	vsel vm2, $0x3200, v4;
	v5 =	vsel vm2, $0x1A00, v5;
	v2 =	vsel vm1, $0x1280, v1  }
0x1a: {  	s6 =	sshll.u32 s6, $0x6;
	s5 =	ssub.s32 s5, s8;
	s8 =	simm.s32 $0x2;
	v1 =	vlaneseq.u32;
	v3 =	vsel vm1, $0xA80, v3;
	v6 =	vsel vm1, $0x3280, v4  }
0x1b: {  	s4 =	sadd.s32 s7, s4;
	s3 =	sadd.s32 s3, s6;
	s5 =	smax.u32 s5, $0x1;
	v7 =	vsel vm1, $0x1A80, v5;
	v4 =	vimm.f32 $1.000000000e+00;
	v2 =	vsel vm0, $0x1300, v2  }
0x1c: {  	s6 =	simm.s32 $0x1;
	s7 =	simm.s32 $0x4000;
	s4 =	sadd.s32 $0x1000, s4;
	v3 =	vsel vm0, $0xB00, v3;
	v5 =	vsel vm0, $0x3300, v6;
	v6 =	vsel vm0, $0x1B00, v7  }
.LBB2_1:
0x1d: {  	[tilespmem:s2], [sflag:$0x1] =	stream.linear.gather [hbm4b:s3+s2], $0x4000, $0x38;
	[tilespmem:$0x6000] =	vst v63  }
0x1e: {  	s10 =	simm.s32 $0x0  }
0x1f: {  	s11 =	sand.u32 $0x400, s2;
	s12 =	simm.s32 $0x0;
	s10 =	sand.u32 $0x1800, s10  }
0x20: {  	s12 =	sand.u32 $0x380, s12;
	s10 =	sor.u32 s11, s10  }
0x21: {  	s10 =	sor.u32 s12, s10  }
0x22: {  	[tilespmem:s10+$0x4070] =	vst v0  }
0x23: {  	[tilespmem:s10+$0x4000] =	vst v0  }
0x24: {  	s11 =	simm.s32 $0x0;
	s12 =	simm.s32 $0x0;
	[tilespmem:s10+$0x4010] =	vst v0  }
.LBB2_2:
0x25: {  	s11 =	sadd.s32 $0x8, s11;
	[tilespmem:s10+$0x4020] =	vst v0  }
0x26: {  	s12 =	sadd.s32 $0x400, s12;
	s13 =	sshll.u32 s11, $0x4;
	p0 =	slt.u32 s11, $0x1F8;
	[tilespmem:s10+$0x4030] =	vst v0  }
0x27: {  	s14 =	sand.u32 $0x400, s12;
	s15 =	sshll.u32 s11, $0x3;
	s13 =	sand.u32 $0x1800, s13;
	[tilespmem:s10+$0x4040] =	vst v0  }
.Ltmp0:
0x28: {  	s15 =	sand.u32 $0x380, s15;
	s13 =	sor.u32 s14, s13;
	[tilespmem:s10+$0x4050] =	vst v0;
	(pc) =	sbr.rel @p0 .LBB2_2-.Ltmp0, $4  }
0x29: {  	[tilespmem:s10+$0x4060] =	vst v0;
	s10 =	sor.u32 s15, s13  }
0x2a: {  	[tilespmem:s10+$0x4070] =	vst v0  }
0x2b: {  	[tilespmem:s10+$0x4000] =	vst v0  }
0x2c: {  	[tilespmem:s10+$0x4010] =	vst v0  }
0x2d: {  	s11 =	simm.s32 $0x7  }
0x2e: {  	v7 =	vadd.s32 s11, v1  }
0x2f: {  	[tilespmem:s10+$0x4020] =	vst v0;
	v8 =	vshll.u32 v7, $0x3  }
0x30: {  	[tilespmem:s10+$0x4030] =	vst v0;
	v7 =	vand.u32 $0x7F, v7;
	v8 =	vand.u32 $0xC00, v8  }
0x31: {  	[tilespmem:s10+$0x4040] =	vst v0;
	v7 =	vor.u32 v7, v8  }
0x32: {  	[tilespmem:s10+$0x4050] =	vst v0;
	v8 =	vor.u32 v2, v7  }
0x33: {  	[tilespmem:s10+$0x4060] =	vst v0;
	s25 =	simm.s32 $0x0;
	s26 =	simm.s32 $0x1;
	s28 =	simm.s32 $0x2  }
0x34: {  	s30 =	simm.s32 $0x6;
	_ =	swait.ge [sflag:s6], $0x4000;
	v9 =	vadd.s32 s25, v1;
	v10 =	vadd.s32 s26, v1;
	v11 =	vadd.s32 s28, v1  }
0x35: {  	v17 =	vadd.s32 s30, v1;
	[sflag:s6] =	ssyncset.done $0x0;
	v14 =	vshll.u32 v10, $0x3;
	v15 =	vand.u32 $0x7F, v9  }
0x36: {  	v9 =	vshll.u32 v9, $0x3;
	v16 =	vshll.u32 v11, $0x3;
	v10 =	vand.u32 $0x7F, v10;
	[sflag:s6] =	ssyncadd.s32 $0xFFFFC000  }
0x37: {  	v18 =	vshll.u32 v17, $0x3;
	v17 =	vand.u32 $0x7F, v17;
	v14 =	vand.u32 $0xC00, v14;
	v8 =	vld.idx.msk [tilespmem:v8+s2+$0x0], $0xffff  }
0x38: {  	v11 =	vand.u32 $0x7F, v11;
	v18 =	vand.u32 $0xC00, v18;
	v10 =	vor.u32 v10, v14  }
0x39: {  	v9 =	vand.u32 $0xC00, v9;
	v17 =	vor.u32 v17, v18;
	v14 =	vor.u32 v2, v10  }
0x3a: {  	s29 =	simm.s32 $0x5;
	s31 =	simm.s32 $0x3;
	v16 =	vand.u32 $0xC00, v16;
	v9 =	vor.u32 v15, v9;
	v15 =	vor.u32 v2, v17  }
0x3b: {  	v13 =	vadd.s32 s29, v1;
	v20 =	vadd.s32 s31, v1;
	v16 =	vor.u32 v11, v16  }
0x3c: {  	v11 =	vand.u32 $0x7F, v13;
	v19 =	vor.u32 v2, v9;
	v18 =	vshll.u32 v8, $0x3  }
0x3d: {  	v7 =	vor.u32 v5, v7;
	v8 =	vand.u32 $0x7F, v8;
	v18 =	vand.u32 $0xFFFFFC00, v18  }
0x3e: {  	v21 =	vor.u32 v2, v16;
	v14 =	vld.idx.msk [tilespmem:v14+s2+$0x0], $0xffff;
	v8 =	vor.u32 v8, v18;
	v18 =	vshll.u32 v13, $0x3  }
0x3f: {  	v15 =	vld.idx.msk [tilespmem:v15+s2+$0x0], $0xffff;
	v13 =	vshll.u32 v20, $0x3;
	v8 =	vadd.s32 v3, v8;
	v18 =	vand.u32 $0xC00, v18  }
0x40: {  	s12 =	simm.s32 $0x4;
	v20 =	vand.u32 $0x7F, v20;
	v13 =	vand.u32 $0xC00, v13;
	v24 =	vor.u32 v11, v18  }
0x41: {  	v12 =	vadd.s32 s12, v1;
	v18 =	vld.idx.msk [tilespmem:v19+s2+$0x0], $0xffff;
	v13 =	vor.u32 v20, v13;
	v19 =	vor.u32 v2, v24  }
0x42: {  	v10 =	vor.u32 v5, v10;
	v11 =	vshll.u32 v12, $0x3;
	v20 =	vor.u32 v2, v13  }
0x43: {  	v21 =	vld.idx.msk [tilespmem:v21+s2+$0x0], $0xffff;
	v22 =	vand.u32 $0x7F, v14;
	v12 =	vand.u32 $0x7F, v12;
	v11 =	vand.u32 $0xC00, v11  }
0x44: {  	v26 =	vshll.u32 v15, $0x3;
	v15 =	vand.u32 $0x7F, v15;
	v11 =	vor.u32 v12, v11;
	[tilespmem:v8+s7+$0x0] =	vst.idx.add.f32.msk $0xffff, v4  }
0x45: {  	v23 =	vor.u32 v2, v11;
	v8 =	vor.u32 v5, v13;
	v13 =	vor.u32 v5, v17;
	v12 =	vld.idx.msk [tilespmem:v7+s2+$0x0], $0xffff  }
0x46: {  	v7 =	vshll.u32 v14, $0x3;
	v27 =	vshll.u32 v18, $0x3;
	v14 =	vand.u32 $0x7F, v18;
	v19 =	vld.idx.msk [tilespmem:v19+s2+$0x0], $0xffff  }
0x47: {  	v25 =	vand.u32 $0xFFFFFC00, v7;
	v18 =	vld.idx.msk [tilespmem:v20+s2+$0x0], $0xffff;
	v7 =	vor.u32 v5, v9;
	v9 =	vor.u32 v5, v16  }
0x48: {  	v16 =	vand.u32 $0xFFFFFC00, v26;
	v17 =	vand.u32 $0xFFFFFC00, v27;
	v20 =	vshll.u32 v21, $0x3  }
0x49: {  	v21 =	vand.u32 $0x7F, v21;
	v22 =	vor.u32 v22, v25;
	v15 =	vor.u32 v15, v16  }
0x4a: {  	v20 =	vand.u32 $0xFFFFFC00, v20;
	v61 =	vld.idx.msk [tilespmem:v23+s2+$0x0], $0xffff;
	v15 =	vadd.s32 v3, v15;
	v16 =	vand.u32 $0x7F, v12  }
0x4b: {  	v12 =	vshll.u32 v12, $0x3;
	v62 =	vand.u32 $0x7F, v19;
	v19 =	vshll.u32 v19, $0x3  }
0x4c: {  	v23 =	vand.u32 $0x7F, v18;
	v12 =	vand.u32 $0xFFFFFC00, v12;
	v18 =	vshll.u32 v18, $0x3  }
0x4d: {  	v63 =	vand.u32 $0xFFFFFC00, v19;
	v19 =	vor.u32 v21, v20;
	v12 =	vor.u32 v16, v12  }
0x4e: {  	v18 =	vand.u32 $0xFFFFFC00, v18;
	v21 =	vadd.s32 v3, v22;
	v16 =	vadd.s32 v6, v12  }
0x4f: {  	v20 =	vand.u32 $0x7F, v61;
	v23 =	vor.u32 v23, v18;
	v12 =	vshll.u32 v61, $0x3  }
0x50: {  	s10 =	simm.s32 $0x8;
	v18 =	vor.u32 v62, v63;
	v22 =	vand.u32 $0xFFFFFC00, v12;
	v12 =	vor.u32 v5, v24  }
.LBB2_4:
0x51: {  	v24 =	vadd.s32 s10, v1;
	s11 =	sadd.s32 $0x1, s10;
	s12 =	sadd.s32 $0x2, s10;
	s13 =	sadd.s32 $0x3, s10;
	v14 =	vor.u32 v14, v17;
	v17 =	vadd.s32 v3, v23  }
0x52: {  	s14 =	sadd.s32 $0x6, s10;
	v23 =	vadd.s32 s11, v1;
	v25 =	vadd.s32 s12, v1;
	s11 =	sadd.s32 $0x4, s10;
	s12 =	sadd.s32 $0x5, s10;
	v14 =	vadd.s32 v3, v14  }
0x53: {  	p0 =	slt.u32 s10, $0x1F8;
	v19 =	vadd.s32 v3, v19;
	v26 =	vadd.s32 s11, v1;
	v27 =	vadd.s32 s12, v1;
	s11 =	sadd.s32 $0x7, s10;
	s10 =	sadd.s32 $0x8, s10;
	[tilespmem:v16+s7+$0x0] =	vst.idx.add.f32.msk $0xffff, v4  }
0x54: {  	v20 =	vor.u32 v20, v22;
	v16 =	vshll.u32 v23, $0x3;
	v28 =	vadd.s32 s11, v1;
	[tilespmem:v21+s7+$0x0] =	vst.idx.add.f32.msk $0xffff, v4  }
0x55: {  	v20 =	vadd.s32 v3, v20;
	v21 =	vadd.s32 s13, v1;
	v22 =	vshll.u32 v28, $0x3;
	[tilespmem:v15+s7+$0x0] =	vst.idx.add.f32.msk $0xffff, v4  }
0x56: {  	v11 =	vor.u32 v5, v11;
	v15 =	vand.u32 $0x7F, v28;
	v22 =	vand.u32 $0xC00, v22;
	[tilespmem:v17+s7+$0x0] =	vst.idx.add.f32.msk $0xffff, v4  }
0x57: {  	v17 =	vshll.u32 v26, $0x3;
	v15 =	vor.u32 v15, v22;
	v8 =	vld.idx.msk [tilespmem:v8+s2+$0x0], $0xffff  }
0x58: {  	v18 =	vadd.s32 v3, v18;
	v22 =	vand.u32 $0x7F, v24;
	v28 =	vor.u32 v2, v15;
	v13 =	vld.idx.msk [tilespmem:v13+s2+$0x0], $0xffff  }
0x59: {  	v30 =	vadd.s32 s14, v1;
	v29 =	vshll.u32 v25, $0x3;
	v24 =	vshll.u32 v24, $0x3;
	[tilespmem:v14+s7+$0x0] =	vst.idx.add.f32.msk $0xffff, v4  }
0x5a: {  	v14 =	vand.u32 $0xC00, v29;
	v29 =	vshll.u32 v27, $0x3;
	[tilespmem:v20+s7+$0x0] =	vst.idx.add.f32.msk $0xffff, v4  }
0x5b: {  	v20 =	vand.u32 $0x7F, v25;
	v25 =	vand.u32 $0x7F, v21;
	v29 =	vand.u32 $0xC00, v29;
	v11 =	vld.idx.msk [tilespmem:v11+s2+$0x0], $0xffff  }
0x5c: {  	v31 =	vand.u32 $0x7F, v30;
	v16 =	vand.u32 $0xC00, v16;
	v27 =	vand.u32 $0x7F, v27;
	[tilespmem:v19+s7+$0x0] =	vst.idx.add.f32.msk $0xffff, v4  }
0x5d: {  	v17 =	vand.u32 $0xC00, v17;
	v19 =	vand.u32 $0x7F, v23;
	v23 =	vld.idx.msk [tilespmem:v28+s2+$0x0], $0xffff;
	v28 =	vand.u32 $0x7F, v8  }
0x5e: {  	v30 =	vshll.u32 v30, $0x3;
	v26 =	vand.u32 $0x7F, v26;
	v8 =	vshll.u32 v8, $0x3;
	v9 =	vld.idx.msk [tilespmem:v9+s2+$0x0], $0xffff  }
0x5f: {  	v30 =	vand.u32 $0xC00, v30;
	v24 =	vand.u32 $0xC00, v24;
	v32 =	vand.u32 $0x7F, v13  }
0x60: {  	v22 =	vor.u32 v22, v24;
	v24 =	vor.u32 v31, v30;
	v8 =	vand.u32 $0xFFFFFC00, v8  }
0x61: {  	v30 =	vor.u32 v2, v22;
	v31 =	vor.u32 v2, v24;
	v33 =	vshll.u32 v11, $0x3  }
0x62: {  	v16 =	vor.u32 v19, v16;
	v19 =	vor.u32 v20, v14;
	v11 =	vand.u32 $0x7F, v11;
	v7 =	vld.idx.msk [tilespmem:v7+s2+$0x0], $0xffff  }
0x63: {  	v14 =	vand.u32 $0x7F, v23;
	v20 =	vshll.u32 v23, $0x3;
	v23 =	vand.u32 $0xFFFFFC00, v33;
	v10 =	vld.idx.msk [tilespmem:v10+s2+$0x0], $0xffff  }
0x64: {  	v33 =	vor.u32 v2, v16;
	v20 =	vand.u32 $0xFFFFFC00, v20;
	v34 =	vshll.u32 v9, $0x3  }
0x65: {  	v21 =	vshll.u32 v21, $0x3;
	v11 =	vor.u32 v11, v23;
	v14 =	vor.u32 v14, v20  }
0x66: {  	v13 =	vshll.u32 v13, $0x3;
	v9 =	vand.u32 $0x7F, v9;
	v14 =	vadd.s32 v3, v14  }
0x67: {  	v15 =	vor.u32 v5, v15;
	v20 =	vor.u32 v28, v8;
	v8 =	vand.u32 $0xFFFFFC00, v13;
	[tilespmem:v18+s7+$0x0] =	vst.idx.add.f32.msk $0xffff, v4  }
0x68: {  	v23 =	vadd.s32 v6, v11;
	v13 =	vshll.u32 v7, $0x3;
	v18 =	vand.u32 $0xFFFFFC00, v34;
	v12 =	vld.idx.msk [tilespmem:v12+s2+$0x0], $0xffff  }
0x69: {  	v8 =	vor.u32 v32, v8;
	v11 =	vshll.u32 v10, $0x3;
	v28 =	vld.idx.msk [tilespmem:v33+s2+$0x0], $0xffff;
	v33 =	vor.u32 v2, v19  }
0x6a: {  	v21 =	vand.u32 $0xC00, v21;
	v27 =	vor.u32 v27, v29;
	v9 =	vor.u32 v9, v18;
	v29 =	vld.idx.msk [tilespmem:v31+s2+$0x0], $0xffff  }
0x6b: {  	v18 =	vor.u32 v25, v21;
	v21 =	vor.u32 v2, v27;
	v9 =	vadd.s32 v6, v9  }
0x6c: {  	v7 =	vand.u32 $0x7F, v7;
	v31 =	vadd.s32 v6, v8;
	v25 =	vld.idx.msk [tilespmem:v30+s2+$0x0], $0xffff;
	v30 =	vor.u32 v2, v18  }
0x6d: {  	v10 =	vand.u32 $0x7F, v10;
	v8 =	vor.u32 v5, v18;
	[tilespmem:v14+s7+$0x0] =	vst.idx.add.f32.msk $0xffff, v4;
	v14 =	vand.u32 $0xFFFFFC00, v11  }
0x6e: {  	v13 =	vand.u32 $0xFFFFFC00, v13;
	v11 =	vor.u32 v26, v17;
	v18 =	vld.idx.msk [tilespmem:v15+s2+$0x0], $0xffff;
	v10 =	vor.u32 v10, v14  }
0x6f: {  	v7 =	vor.u32 v7, v13;
	v15 =	vand.u32 $0x7F, v28;
	v14 =	vshll.u32 v28, $0x3;
	v26 =	vld.idx.msk [tilespmem:v33+s2+$0x0], $0xffff  }
0x70: {  	v32 =	vadd.s32 v6, v7;
	v7 =	vshll.u32 v12, $0x3;
	v28 =	vor.u32 v2, v11;
	v21 =	vld.idx.msk [tilespmem:v21+s2+$0x0], $0xffff  }
0x71: {  	v33 =	vand.u32 $0xFFFFFC00, v14;
	v34 =	vshll.u32 v29, $0x3;
	v10 =	vadd.s32 v6, v10;
	v30 =	vld.idx.msk [tilespmem:v30+s2+$0x0], $0xffff  }
0x72: {  	v12 =	vand.u32 $0x7F, v12;
	v29 =	vand.u32 $0x7F, v29;
	v17 =	vshll.u32 v25, $0x3;
	[tilespmem:v31+s7+$0x0] =	vst.idx.add.f32.msk $0xffff, v4  }
0x73: {  	v13 =	vor.u32 v5, v24;
	v24 =	vand.u32 $0xFFFFFC00, v7;
	v14 =	vand.u32 $0x7F, v25;
	[tilespmem:v9+s7+$0x0] =	vst.idx.add.f32.msk $0xffff, v4  }
0x74: {  	v7 =	vor.u32 v5, v22;
	v12 =	vor.u32 v12, v24;
	v9 =	vor.u32 v5, v19  }
0x75: {  	v12 =	vadd.s32 v6, v12;
	v17 =	vand.u32 $0xFFFFFC00, v17;
	v19 =	vand.u32 $0xFFFFFC00, v34;
	v22 =	vld.idx.msk [tilespmem:v28+s2+$0x0], $0xffff  }
0x76: {  	v24 =	vor.u32 v15, v33;
	v25 =	vand.u32 $0x7F, v18;
	v15 =	vor.u32 v29, v19;
	[tilespmem:v10+s7+$0x0] =	vst.idx.add.f32.msk $0xffff, v4  }
0x77: {  	v19 =	vshll.u32 v26, $0x3;
	v15 =	vadd.s32 v3, v15;
	v28 =	vadd.s32 v6, v20;
	[tilespmem:v23+s7+$0x0] =	vst.idx.add.f32.msk $0xffff, v4  }
0x78: {  	v18 =	vshll.u32 v18, $0x3;
	v10 =	vor.u32 v5, v16;
	v16 =	vand.u32 $0x7F, v26  }
0x79: {  	v19 =	vand.u32 $0xFFFFFC00, v19;
	v20 =	vshll.u32 v21, $0x3;
	v26 =	vand.u32 $0x7F, v21;
	[tilespmem:v32+s7+$0x0] =	vst.idx.add.f32.msk $0xffff, v4  }
.Ltmp1:
0x7a: {  	v18 =	vand.u32 $0xFFFFFC00, v18;
	v29 =	vand.u32 $0xFFFFFC00, v20;
	v23 =	vand.u32 $0x7F, v30;
	[tilespmem:v12+s7+$0x0] =	vst.idx.add.f32.msk $0xffff, v4;
	(pc) =	sbr.rel @p0 .LBB2_4-.Ltmp1, $4  }
0x7b: {  	v19 =	vor.u32 v16, v19;
	v16 =	vor.u32 v25, v18;
	v12 =	vshll.u32 v30, $0x3  }
0x7c: {  	v16 =	vadd.s32 v6, v16;
	v20 =	vand.u32 $0x7F, v22;
	v12 =	vand.u32 $0xFFFFFC00, v12;
	[tilespmem:v28+s7+$0x0] =	vst.idx.add.f32.msk $0xffff, v4  }
0x7d: {  	v21 =	vadd.s32 v3, v24;
	v23 =	vor.u32 v23, v12;
	v12 =	vshll.u32 v22, $0x3  }
0x7e: {  	v18 =	vor.u32 v26, v29;
	v22 =	vand.u32 $0xFFFFFC00, v12;
	v12 =	vor.u32 v5, v27  }
0x7f: {  	_ =	sdelay $0x2  }
0x80: {  	v23 =	vadd.s32 v3, v23  }
0x81: {  	[tilespmem:v21+s7+$0x0] =	vst.idx.add.f32.msk $0xffff, v4;
	v52 =	vadd.s32 v3, v19  }
0x82: {  	[tilespmem:v15+s7+$0x0] =	vst.idx.add.f32.msk $0xffff, v4;
	v53 =	vadd.s32 v3, v18  }
0x83: {  	v20 =	vor.u32 v20, v22;
	v13 =	vld.idx.msk [tilespmem:v13+s2+$0x0], $0xffff  }
0x84: {  	v20 =	vadd.s32 v3, v20;
	v10 =	vld.idx.msk [tilespmem:v10+s2+$0x0], $0xffff  }
0x85: {  	v14 =	vor.u32 v14, v17;
	[tilespmem:v23+s7+$0x0] =	vst.idx.add.f32.msk $0xffff, v4  }
0x86: {  	v14 =	vadd.s32 v3, v14;
	[tilespmem:v52+s7+$0x0] =	vst.idx.add.f32.msk $0xffff, v4  }
0x87: {  	[tilespmem:v53+s7+$0x0] =	vst.idx.add.f32.msk $0xffff, v4  }
0x88: {  	v11 =	vor.u32 v5, v11;
	v8 =	vld.idx.msk [tilespmem:v8+s2+$0x0], $0xffff  }
0x89: {  	[tilespmem:v20+s7+$0x0] =	vst.idx.add.f32.msk $0xffff, v4  }
0x8a: {  	v9 =	vld.idx.msk [tilespmem:v9+s2+$0x0], $0xffff  }
0x8b: {  	[tilespmem:v14+s7+$0x0] =	vst.idx.add.f32.msk $0xffff, v4  }
0x8c: {  	v12 =	vld.idx.msk [tilespmem:v12+s2+$0x0], $0xffff  }
0x8d: {  	v55 =	vand.u32 $0x7F, v13;
	v13 =	vshll.u32 v13, $0x3;
	v60 =	vshll.u32 v10, $0x3;
	v11 =	vld.idx.msk [tilespmem:v11+s2+$0x0], $0xffff  }
0x8e: {  	v10 =	vand.u32 $0x7F, v10;
	v7 =	vld.idx.msk [tilespmem:v7+s2+$0x0], $0xffff;
	v13 =	vand.u32 $0xFFFFFC00, v13;
	v61 =	vand.u32 $0xFFFFFC00, v60  }
0x8f: {  	v13 =	vor.u32 v55, v13;
	v10 =	vor.u32 v10, v61  }
0x90: {  	v13 =	vadd.s32 v6, v13;
	v10 =	vadd.s32 v6, v10;
	v54 =	vand.u32 $0x7F, v8  }
0x91: {  	v8 =	vshll.u32 v8, $0x3;
	v57 =	vshll.u32 v9, $0x3;
	v9 =	vand.u32 $0x7F, v9  }
0x92: {  	v62 =	vshll.u32 v12, $0x3;
	v12 =	vand.u32 $0x7F, v12;
	v56 =	vshll.u32 v11, $0x3  }
0x93: {  	v11 =	vand.u32 $0x7F, v11;
	v58 =	vshll.u32 v7, $0x3;
	v59 =	vand.u32 $0xFFFFFC00, v57  }
0x94: {  	v7 =	vand.u32 $0x7F, v7;
	v63 =	vand.u32 $0xFFFFFC00, v62;
	v9 =	vor.u32 v9, v59  }
0x95: {  	v8 =	vand.u32 $0xFFFFFC00, v8;
	v12 =	vor.u32 v12, v63;
	v9 =	vadd.s32 v6, v9  }
0x96: {  	v18 =	vand.u32 $0xFFFFFC00, v56;
	v8 =	vor.u32 v54, v8;
	v12 =	vadd.s32 v6, v12  }
0x97: {  	[tilespmem:v16+s7+$0x0] =	vst.idx.add.f32.msk $0xffff, v4;
	v15 =	vand.u32 $0xFFFFFC00, v58;
	v11 =	vor.u32 v11, v18;
	v8 =	vadd.s32 v6, v8  }
0x98: {  	v7 =	vor.u32 v7, v15;
	[tilespmem:v13+s7+$0x0] =	vst.idx.add.f32.msk $0xffff, v4;
	v11 =	vadd.s32 v6, v11  }
0x99: {  	[tilespmem:v10+s7+$0x0] =	vst.idx.add.f32.msk $0xffff, v4;
	v7 =	vadd.s32 v6, v7  }
0x9a: {  	[tilespmem:v9+s7+$0x0] =	vst.idx.add.f32.msk $0xffff, v4  }
0x9b: {  	[tilespmem:v12+s7+$0x0] =	vst.idx.add.f32.msk $0xffff, v4  }
0x9c: {  	s9 =	sadd.s32 $0x1, s9;
	[tilespmem:v8+s7+$0x0] =	vst.idx.add.f32.msk $0xffff, v4  }
0x9d: {  	p0 =	sne.s32 s9, s5;
	[tilespmem:v11+s7+$0x0] =	vst.idx.add.f32.msk $0xffff, v4  }
.Ltmp2:
0x9e: {  	[tilespmem:v7+s7+$0x0] =	vst.idx.add.f32.msk $0xffff, v4;
	(pc) =	sbr.rel @p0 .LBB2_1-.Ltmp2, $4  }
0x9f: {  	[hbm4b:s4+s2] =	stream.linear.scatter [tilespmem:s7], [sflag:$0x2], $0x2000, $0x38;
	[tilespmem:$0x6000] =	vst v63  }
0xa0: {  	_ =	swait.ge [sflag:s8], $0x2000  }
0xa1: {  	[sflag:s8] =	ssyncset.done $0x0  }
0xa2: {  	[sflag:s8] =	ssyncadd.s32 $0xFFFFE000  }
0xa3: {  	_ =	sfence.sel $0x180000  }
0xa4: {  	[bflag:$0x0] =	sbarrier.arrive $0xFFFF  }
0xa5: {  	p0 =	sne.s32 s1, $0x0;
	_ =	strace $0x90000047  }
0xa6: {  	s0 =	sadd.s32 @!p0 $0x100000, s0;
	[bflag:$0x2] =	sbarrier.arrive $0xFFFF  }
0xa7: {  	[sflag:s0] =	ssyncadd.tile.s32 @!p0 $0x1;
	_ =	shalt  }
.Lfunc_end2:
_tile_overlayer_lowered:
.L_overlay_start_2:
0xa8: {  	(tag) =	ssettag $0x2  }
0xa9: {  	s0 =	rddreg [dreg:$0x0];
	s2 =	stileid.u32  }
0xaa: {  	s1 =	rddreg [dreg:$0x1];
	p0 =	sne.s32 s2, $0x0  }
0xab: {  	s3 =	rddreg [dreg:$0x2];
	[bflag:$0x3] =	sbarrier.arrive $0xFFFF;
	s2 =	simm.s32 @!p0 $0x1C02  }
0xac: {  	[timem:s3], [sflag:s2] =	dma.local @!p0 [hbm:s0], s1  }
0xad: {  	s0 =	simm.s32 @!p0 $0x2  }
0xae: {  	_ =	swait.ge @!p0 [sflag:s0], s1  }
0xaf: {  	s1 =	ssub.s32 @!p0 $0x0, s1;
	[sflag:s0] =	ssyncset.done @!p0 $0x0  }
0xb0: {  	[sflag:s0] =	ssyncadd.s32 @!p0 s1  }
0xb1: {  	[bflag:$0x3] =	sbarrier.arrive $0xFFFF  }
0xb2: {  	_ =	shalt  }

</sc_bundles>
